<compile_context>
chip_gen: v7x
topology: tpu7x:2x2x1
jax: 0.10.2.dev20260603
libtpu: 0.0.44.dev20260713+nightly
codegen_flags: <defaults>
</compile_context>

<pallas_src>
import functools

import jax
import jax.numpy as jnp
from jax import lax
from jax.experimental import pallas as pl
from jax.experimental.pallas import tpu as pltpu
from jax.experimental.pallas import tpu_sc as plsc

_B = 16384
_N = 26
_D = 128
_VOCAB_PER_FIELD = 1000
_LOG2_B = 14
_BN = _B * _N
_NW = 32
_BPW = _BN // _NW
_C = 256
_KIDX = _C // 128
_NCHUNK = _BPW // _C
_NBUF = 3

_mesh = plsc.VectorSubcoreMesh(core_axis_name="c", subcore_axis_name="s")


@functools.partial(
    pl.kernel,
    mesh=_mesh,
    out_type=jax.ShapeDtypeStruct((_BN, _D), jnp.float32),
    scratch_types=[
        pltpu.VMEM((_BPW,), jnp.int32),
        pltpu.VMEM((_BPW,), jnp.int32),
        pltpu.VMEM((_C, _D), jnp.float32),
        pltpu.VMEM((_C, _D), jnp.float32),
        pltpu.VMEM((_C, _D), jnp.float32),
        pltpu.SemaphoreType.DMA,
        pltpu.SemaphoreType.DMA,
        pltpu.SemaphoreType.DMA,
        pltpu.SemaphoreType.DMA,
    ],
)
def _emb_lookup(x_hbm, table_hbm, out_hbm,
                xv, idx_v, rows0, rows1, rows2,
                gsem, osem0, osem1, osem2):
    wid = lax.axis_index("s") * 2 + lax.axis_index("c")
    base = wid * _BPW

    pltpu.sync_copy(x_hbm.at[pl.ds(base, _BPW)], xv)

    def compute_idx(c):
        def add_body(i, _):
            sl = pl.ds(c * _C + i * 16, 16)
            pos = lax.iota(jnp.int32, 16) + (base + c * _C + i * 16)
            off = lax.shift_right_logical(pos, _LOG2_B) * _VOCAB_PER_FIELD
            idx_v[sl] = xv[sl] + off
            return ()

        lax.fori_loop(0, _C // 16, add_body, ())

    def chunk(c, rows, osem):
        @pl.when(c >= _NBUF)
        def _():
            pltpu.make_async_copy(
                rows, out_hbm.at[pl.ds(base + (c - _NBUF) * _C, _C)], osem
            ).wait()

        copies = [
            pltpu.async_copy(
                table_hbm.at[idx_v.at[pl.ds(c * _C + k * 128, 128)]],
                rows.at[pl.ds(k * 128, 128)],
                gsem,
            )
            for k in range(_KIDX)
        ]

        @pl.when(c + 1 < _NCHUNK)
        def _():
            compute_idx(c + 1)

        for cp in copies:
            cp.wait()
        pltpu.async_copy(rows, out_hbm.at[pl.ds(base + c * _C, _C)], osem)

    compute_idx(0)

    def body(i, _):
        chunk(_NBUF * i, rows0, osem0)
        chunk(_NBUF * i + 1, rows1, osem1)
        chunk(_NBUF * i + 2, rows2, osem2)
        return ()

    lax.fori_loop(0, _NCHUNK // _NBUF, body, ())
    chunk(_NCHUNK - 1, rows0, osem0)

    pltpu.make_async_copy(
        rows1, out_hbm.at[pl.ds(base + (_NCHUNK - 3) * _C, _C)], osem1
    ).wait()
    pltpu.make_async_copy(
        rows2, out_hbm.at[pl.ds(base + (_NCHUNK - 2) * _C, _C)], osem2
    ).wait()
    pltpu.make_async_copy(
        rows0, out_hbm.at[pl.ds(base + (_NCHUNK - 1) * _C, _C)], osem0
    ).wait()


def kernel(x, table):
    xf = jnp.transpose(x.astype(jnp.int32)).reshape(_BN)
    out = _emb_lookup(xf, table)
    return jnp.swapaxes(out.reshape(_N, _B, _D), 0, 1)

# --- scband reference (transcript-rebuilt; emitter-appended) ---
"""Pipeline reference for scband-features-embedding-3126736191779 (READ-ONLY COPY).

The authoritative reference and input builder live on the scoring server;
editing this copy changes nothing except your own understanding.
"""

import jax, jax.numpy as jnp
import numpy as np

IN_FEATURES = [1000] * 26
OUT_FEATURES = 128
BATCH = 16384
N_FIELDS = len(IN_FEATURES)
TOTAL_VOCAB = int(np.sum(IN_FEATURES))


def setup_inputs(seed: int = 0) -> dict:
    key = jax.random.key(seed)
    k1, k2 = jax.random.split(key)
    x = jax.random.randint(k1, (BATCH, N_FIELDS), 0, 1000, dtype=jnp.int64) if jax.config.jax_enable_x64 else jax.random.randint(k1, (BATCH, N_FIELDS), 0, 1000, dtype=jnp.int32)
    table = jax.random.normal(k2, (TOTAL_VOCAB, OUT_FEATURES), dtype=jnp.float32)
    return {"x": x, "table": table}


def reference(x, table):
    offsets = jnp.asarray(np.array((0, *np.cumsum(IN_FEATURES)[:-1]), dtype=np.int64), dtype=x.dtype)
    idx = x + offsets[None, :]
    return jnp.take(table, idx, axis=0)

if __name__ == "__main__":
    import jax
    _d = setup_inputs()
    print(jax.jit(kernel)(*tuple(_d.values())))

</pallas_src>

<mosaic_0001>
#map = affine_map<(d0, d1) -> (0)>
#map1 = affine_map<(d0, d1) -> (0, 0)>
module attributes {stable_mosaic.version = 14 : i64} {
  func.func @_emb_lookup(%arg0: i32, %arg1: i32, %arg2: memref<425984xi32, #tpu.memory_space<hbm>>, %arg3: memref<26000x128xf32, #tpu.memory_space<hbm>>, %arg4: memref<425984x128xf32, #tpu.memory_space<hbm>>, %arg5: memref<13312xi32, #tpu.memory_space<vmem>>, %arg6: memref<13312xi32, #tpu.memory_space<vmem>>, %arg7: memref<256x128xf32, #tpu.memory_space<vmem>>, %arg8: memref<256x128xf32, #tpu.memory_space<vmem>>, %arg9: memref<256x128xf32, #tpu.memory_space<vmem>>, %arg10: memref<!tpu.dma_semaphore, #tpu.memory_space<semaphore_mem>>, %arg11: memref<!tpu.dma_semaphore, #tpu.memory_space<semaphore_mem>>, %arg12: memref<!tpu.dma_semaphore, #tpu.memory_space<semaphore_mem>>, %arg13: memref<!tpu.dma_semaphore, #tpu.memory_space<semaphore_mem>>) attributes {dimension_semantics = [#tpu.dimension_semantics<core_parallel>, #tpu.dimension_semantics<subcore_parallel>], iteration_bounds = array<i64: 2, 16>, scalar_prefetch = 0 : i64, scratch_operands = 9 : i64, tpu.core_type = #tpu.core_type<sc_vector_subcore>, window_params = [{transform_indices = #map}, {transform_indices = #map1}, {transform_indices = #map1}]} {
    %mul3A = arith.constant 2 : i32
    %mul3A_0 = arith.muli %arg1, %mul3A : i32
    %add3A = arith.addi %mul3A_0, %arg0 : i32
    %mul3A_1 = arith.constant 13312 : i32
    %mul3A_2 = arith.muli %add3A, %mul3A_1 : i32
    "tpu.region"() ({
      %run_scoped3A = tpu.sem_alloc : memref<!tpu.dma_semaphore, #tpu.memory_space<semaphore_mem>>
      %dma_start3A_72 = tpu.memref_slice %arg2[%mul3A_2] : memref<425984xi32, #tpu.memory_space<hbm>> -> memref<13312xi32, #tpu.memory_space<hbm>>
      %dma_start3A_73 = tpu.memref_slice %arg2[%mul3A_2] : memref<425984xi32, #tpu.memory_space<hbm>> -> memref<13312xi32, #tpu.memory_space<hbm>>
      tpu.enqueue_dma source(%dma_start3A_73 : memref<13312xi32, #tpu.memory_space<hbm>>) target(%arg5 : memref<13312xi32, #tpu.memory_space<vmem>>) target_semaphore(%run_scoped3A : memref<!tpu.dma_semaphore, #tpu.memory_space<semaphore_mem>>)
      %dma_wait3A_74 = tpu.memref_slice %arg2[%mul3A_2] : memref<425984xi32, #tpu.memory_space<hbm>> -> memref<13312xi32, #tpu.memory_space<hbm>>
      %dma_wait3A_75 = tpu.memref_slice %arg2[%mul3A_2] : memref<425984xi32, #tpu.memory_space<hbm>> -> memref<13312xi32, #tpu.memory_space<hbm>>
      tpu.wait_dma2 semaphore(%run_scoped3A : memref<!tpu.dma_semaphore, #tpu.memory_space<semaphore_mem>>) src(%dma_wait3A_75 : memref<13312xi32, #tpu.memory_space<hbm>>) dst(%arg5 : memref<13312xi32, #tpu.memory_space<vmem>>)
      tpu.yield
    }) : () -> ()
    %scan3A = arith.constant 0 : i32
    %scan3A_3 = arith.constant 16 : i32
    %scan3A_4 = arith.addi %scan3A, %scan3A_3 : i32
    %scan3A_5 = arith.constant 1 : i32
    scf.for %scan3A_72 = %scan3A to %scan3A_4 step %scan3A_5  : i32 {
      %mul3A_73 = arith.constant 16 : i32
      %mul3A_74 = arith.muli %scan3A_72, %mul3A_73 : i32
      %add3A_75 = arith.constant 0 : i32
      %add3A_76 = arith.addi %add3A_75, %mul3A_74 : i32
      %iota3A = tpu.iota {dimensions = array<i32: 0>} : vector<16xi32>
      %add3A_77 = arith.constant 0 : i32
      %add3A_78 = arith.addi %mul3A_2, %add3A_77 : i32
      %mul3A_79 = arith.constant 16 : i32
      %mul3A_80 = arith.muli %scan3A_72, %mul3A_79 : i32
      %add3A_81 = arith.addi %add3A_78, %mul3A_80 : i32
      %add3A_82 = vector.broadcast %add3A_81 : i32 to vector<16xi32>
      %add3A_83 = arith.addi %iota3A, %add3A_82 : vector<16xi32>
      %shift_right_logical3A = arith.constant 14 : i32
      %shift_right_logical3A_84 = vector.broadcast %shift_right_logical3A : i32 to vector<16xi32>
      %shift_right_logical3A_85 = arith.shrui %add3A_83, %shift_right_logical3A_84 : vector<16xi32>
      %mul3A_86 = arith.constant 1000 : i32
      %mul3A_87 = vector.broadcast %mul3A_86 : i32 to vector<16xi32>
      %mul3A_88 = arith.muli %shift_right_logical3A_85, %mul3A_87 : vector<16xi32>
      %get3A = arith.index_cast %add3A_76 : i32 to index
      %get3A_89 = tpu.vector_load %arg5[%get3A] {strides = array<i32>} : memref<13312xi32, #tpu.memory_space<vmem>>, vector<16xi32>,
      %get3A_90 = vector.shape_cast %get3A_89 : vector<16xi32> to vector<16xi32>
      %add3A_91 = arith.addi %get3A_90, %mul3A_88 : vector<16xi32>
      %swap3A = arith.index_cast %add3A_76 : i32 to index
      %swap3A_92 = tpu.vector_load %arg6[%swap3A] {strides = array<i32>} : memref<13312xi32, #tpu.memory_space<vmem>>, vector<16xi32>,
      %swap3A_93 = vector.shape_cast %swap3A_92 : vector<16xi32> to vector<16xi32>
      %swap3A_94 = vector.shape_cast %add3A_91 : vector<16xi32> to vector<16xi32>
      tpu.vector_store %arg6[%swap3A], %swap3A_94 {strides = array<i32>} : memref<13312xi32, #tpu.memory_space<vmem>>, vector<16xi32>,
    }
    %scan3A_6 = arith.constant 16 : i32
    %scan3A_7 = arith.constant 0 : i32
    %scan3A_8 = arith.constant 17 : i32
    %scan3A_9 = arith.addi %scan3A_7, %scan3A_8 : i32
    %scan3A_10 = arith.constant 1 : i32
    scf.for %scan3A_72 = %scan3A_7 to %scan3A_9 step %scan3A_10  : i32 {
      %mul3A_73 = arith.constant 3 : i32
      %mul3A_74 = arith.muli %mul3A_73, %scan3A_72 : i32
      %ge3A = arith.constant 3 : i32
      %ge3A_75 = arith.cmpi sge, %mul3A_74, %ge3A : i32
      %convert_element_type3A = arith.extui %ge3A_75 : i1 to i32
      %cond3A = arith.constant 0 : i32
      %cond3A_76 = arith.cmpi ne, %convert_element_type3A, %cond3A : i32
      scf.if %cond3A_76 {
        %sub3A = arith.constant 3 : i32
        %sub3A_244 = arith.subi %mul3A_74, %sub3A : i32
        %mul3A_245 = arith.constant 256 : i32
        %mul3A_246 = arith.muli %sub3A_244, %mul3A_245 : i32
        %add3A_247 = arith.addi %mul3A_2, %mul3A_246 : i32
        %dma_wait3A_248 = arith.constant 0 : i32
        %dma_wait3A_249 = tpu.memref_slice %arg4[%add3A_247, %dma_wait3A_248] : memref<425984x128xf32, #tpu.memory_space<hbm>> -> memref<256x128xf32, #tpu.memory_space<hbm>>
        %dma_wait3A_250 = arith.constant 0 : i32
        %dma_wait3A_251 = tpu.memref_slice %arg4[%add3A_247, %dma_wait3A_250] : memref<425984x128xf32, #tpu.memory_space<hbm>> -> memref<256x128xf32, #tpu.memory_space<hbm>>
        tpu.wait_dma2 semaphore(%arg11 : memref<!tpu.dma_semaphore, #tpu.memory_space<semaphore_mem>>) src(%arg7 : memref<256x128xf32, #tpu.memory_space<vmem>>) dst(%dma_wait3A_251 : memref<256x128xf32, #tpu.memory_space<hbm>>)
      } else {
      }
      %mul3A_77 = arith.constant 256 : i32
      %mul3A_78 = arith.muli %mul3A_74, %mul3A_77 : i32
      %add3A_79 = arith.constant 0 : i32
      %add3A_80 = arith.addi %mul3A_78, %add3A_79 : i32
      %dma_start3A_81 = arith.constant 0 : i32
      %dma_start3A_82 = arith.constant 0 : i32
      %dma_start3A_83 = tpu.memref_slice %arg7[%dma_start3A_81, %dma_start3A_82] : memref<256x128xf32, #tpu.memory_space<vmem>> -> memref<128x128xf32, #tpu.memory_space<vmem>>
      %dma_start3A_84 = tpu.memref_slice %arg6[%add3A_80] : memref<13312xi32, #tpu.memory_space<vmem>> -> memref<128xi32, #tpu.memory_space<vmem>>
      %dma_start3A_85 = arith.constant 0 : i32
      %dma_start3A_86 = arith.constant 0 : i32
      %dma_start3A_87 = tpu.memref_slice %arg3[%dma_start3A_85, %dma_start3A_86] : memref<26000x128xf32, #tpu.memory_space<hbm>> -> memref<26000x128xf32, #tpu.memory_space<hbm>>
      tpu.enqueue_indirect_dma source(%dma_start3A_87 : memref<26000x128xf32, #tpu.memory_space<hbm>>) target(%dma_start3A_83 : memref<128x128xf32, #tpu.memory_space<vmem>>) offsets(%dma_start3A_84 : memref<128xi32, #tpu.memory_space<vmem>>) semaphore(%arg10 : memref<!tpu.dma_semaphore, #tpu.memory_space<semaphore_mem>>)
      %mul3A_88 = arith.constant 256 : i32
      %mul3A_89 = arith.muli %mul3A_74, %mul3A_88 : i32
      %add3A_90 = arith.constant 128 : i32
      %add3A_91 = arith.addi %mul3A_89, %add3A_90 : i32
      %dma_start3A_92 = arith.constant 128 : i32
      %dma_start3A_93 = arith.constant 0 : i32
      %dma_start3A_94 = tpu.memref_slice %arg7[%dma_start3A_92, %dma_start3A_93] : memref<256x128xf32, #tpu.memory_space<vmem>> -> memref<128x128xf32, #tpu.memory_space<vmem>>
      %dma_start3A_95 = tpu.memref_slice %arg6[%add3A_91] : memref<13312xi32, #tpu.memory_space<vmem>> -> memref<128xi32, #tpu.memory_space<vmem>>
      %dma_start3A_96 = arith.constant 0 : i32
      %dma_start3A_97 = arith.constant 0 : i32
      %dma_start3A_98 = tpu.memref_slice %arg3[%dma_start3A_96, %dma_start3A_97] : memref<26000x128xf32, #tpu.memory_space<hbm>> -> memref<26000x128xf32, #tpu.memory_space<hbm>>
      tpu.enqueue_indirect_dma source(%dma_start3A_98 : memref<26000x128xf32, #tpu.memory_space<hbm>>) target(%dma_start3A_94 : memref<128x128xf32, #tpu.memory_space<vmem>>) offsets(%dma_start3A_95 : memref<128xi32, #tpu.memory_space<vmem>>) semaphore(%arg10 : memref<!tpu.dma_semaphore, #tpu.memory_space<semaphore_mem>>)
      %add3A_99 = arith.constant 1 : i32
      %add3A_100 = arith.addi %mul3A_74, %add3A_99 : i32
      %lt3A = arith.constant 52 : i32
      %lt3A_101 = arith.cmpi slt, %add3A_100, %lt3A : i32
      %convert_element_type3A_102 = arith.extui %lt3A_101 : i1 to i32
      %cond3A_103 = arith.constant 0 : i32
      %cond3A_104 = arith.cmpi ne, %convert_element_type3A_102, %cond3A_103 : i32
      scf.if %cond3A_104 {
        %add3A_244 = arith.constant 1 : i32
        %add3A_245 = arith.addi %mul3A_74, %add3A_244 : i32
        %scan3A_246 = arith.constant 0 : i32
        %scan3A_247 = arith.constant 16 : i32
        %scan3A_248 = arith.addi %scan3A_246, %scan3A_247 : i32
        %scan3A_249 = arith.constant 1 : i32
        scf.for %scan3A_251 = %scan3A_246 to %scan3A_248 step %scan3A_249  : i32 {
          %mul3A_252 = arith.constant 256 : i32
          %mul3A_253 = arith.muli %add3A_245, %mul3A_252 : i32
          %mul3A_254 = arith.constant 16 : i32
          %mul3A_255 = arith.muli %scan3A_251, %mul3A_254 : i32
          %add3A_256 = arith.addi %mul3A_253, %mul3A_255 : i32
          %iota3A = tpu.iota {dimensions = array<i32: 0>} : vector<16xi32>
          %mul3A_257 = arith.constant 256 : i32
          %mul3A_258 = arith.muli %add3A_245, %mul3A_257 : i32
          %add3A_259 = arith.addi %mul3A_2, %mul3A_258 : i32
          %mul3A_260 = arith.constant 16 : i32
          %mul3A_261 = arith.muli %scan3A_251, %mul3A_260 : i32
          %add3A_262 = arith.addi %add3A_259, %mul3A_261 : i32
          %add3A_263 = vector.broadcast %add3A_262 : i32 to vector<16xi32>
          %add3A_264 = arith.addi %iota3A, %add3A_263 : vector<16xi32>
          %shift_right_logical3A = arith.constant 14 : i32
          %shift_right_logical3A_265 = vector.broadcast %shift_right_logical3A : i32 to vector<16xi32>
          %shift_right_logical3A_266 = arith.shrui %add3A_264, %shift_right_logical3A_265 : vector<16xi32>
          %mul3A_267 = arith.constant 1000 : i32
          %mul3A_268 = vector.broadcast %mul3A_267 : i32 to vector<16xi32>
          %mul3A_269 = arith.muli %shift_right_logical3A_266, %mul3A_268 : vector<16xi32>
          %get3A = arith.index_cast %add3A_256 : i32 to index
          %get3A_270 = tpu.vector_load %arg5[%get3A] {strides = array<i32>} : memref<13312xi32, #tpu.memory_space<vmem>>, vector<16xi32>,
          %get3A_271 = vector.shape_cast %get3A_270 : vector<16xi32> to vector<16xi32>
          %add3A_272 = arith.addi %get3A_271, %mul3A_269 : vector<16xi32>
          %swap3A = arith.index_cast %add3A_256 : i32 to index
          %swap3A_273 = tpu.vector_load %arg6[%swap3A] {strides = array<i32>} : memref<13312xi32, #tpu.memory_space<vmem>>, vector<16xi32>,
          %swap3A_274 = vector.shape_cast %swap3A_273 : vector<16xi32> to vector<16xi32>
          %swap3A_275 = vector.shape_cast %add3A_272 : vector<16xi32> to vector<16xi32>
          tpu.vector_store %arg6[%swap3A], %swap3A_275 {strides = array<i32>} : memref<13312xi32, #tpu.memory_space<vmem>>, vector<16xi32>,
        }
        %scan3A_250 = arith.constant 16 : i32
      } else {
      }
      %dma_wait3A_105 = arith.constant 0 : i32
      %dma_wait3A_106 = arith.constant 0 : i32
      %dma_wait3A_107 = tpu.memref_slice %arg7[%dma_wait3A_105, %dma_wait3A_106] : memref<256x128xf32, #tpu.memory_space<vmem>> -> memref<128x128xf32, #tpu.memory_space<vmem>>
      %dma_wait3A_108 = tpu.memref_slice %arg6[%add3A_80] : memref<13312xi32, #tpu.memory_space<vmem>> -> memref<128xi32, #tpu.memory_space<vmem>>
      %dma_wait3A_109 = arith.constant 0 : i32
      %dma_wait3A_110 = arith.constant 0 : i32
      %dma_wait3A_111 = tpu.memref_slice %arg3[%dma_wait3A_109, %dma_wait3A_110] : memref<26000x128xf32, #tpu.memory_space<hbm>> -> memref<26000x128xf32, #tpu.memory_space<hbm>>
      tpu.wait_indirect_dma semaphore(%arg10 : memref<!tpu.dma_semaphore, #tpu.memory_space<semaphore_mem>>) src(%dma_wait3A_111 : memref<26000x128xf32, #tpu.memory_space<hbm>>) dst(%dma_wait3A_107 : memref<128x128xf32, #tpu.memory_space<vmem>>)
      %dma_wait3A_112 = arith.constant 128 : i32
      %dma_wait3A_113 = arith.constant 0 : i32
      %dma_wait3A_114 = tpu.memref_slice %arg7[%dma_wait3A_112, %dma_wait3A_113] : memref<256x128xf32, #tpu.memory_space<vmem>> -> memref<128x128xf32, #tpu.memory_space<vmem>>
      %dma_wait3A_115 = tpu.memref_slice %arg6[%add3A_91] : memref<13312xi32, #tpu.memory_space<vmem>> -> memref<128xi32, #tpu.memory_space<vmem>>
      %dma_wait3A_116 = arith.constant 0 : i32
      %dma_wait3A_117 = arith.constant 0 : i32
      %dma_wait3A_118 = tpu.memref_slice %arg3[%dma_wait3A_116, %dma_wait3A_117] : memref<26000x128xf32, #tpu.memory_space<hbm>> -> memref<26000x128xf32, #tpu.memory_space<hbm>>
      tpu.wait_indirect_dma semaphore(%arg10 : memref<!tpu.dma_semaphore, #tpu.memory_space<semaphore_mem>>) src(%dma_wait3A_118 : memref<26000x128xf32, #tpu.memory_space<hbm>>) dst(%dma_wait3A_114 : memref<128x128xf32, #tpu.memory_space<vmem>>)
      %mul3A_119 = arith.constant 256 : i32
      %mul3A_120 = arith.muli %mul3A_74, %mul3A_119 : i32
      %add3A_121 = arith.addi %mul3A_2, %mul3A_120 : i32
      %dma_start3A_122 = arith.constant 0 : i32
      %dma_start3A_123 = tpu.memref_slice %arg4[%add3A_121, %dma_start3A_122] : memref<425984x128xf32, #tpu.memory_space<hbm>> -> memref<256x128xf32, #tpu.memory_space<hbm>>
      %dma_start3A_124 = arith.constant 0 : i32
      %dma_start3A_125 = tpu.memref_slice %arg4[%add3A_121, %dma_start3A_124] : memref<425984x128xf32, #tpu.memory_space<hbm>> -> memref<256x128xf32, #tpu.memory_space<hbm>>
      tpu.enqueue_dma source(%arg7 : memref<256x128xf32, #tpu.memory_space<vmem>>) target(%dma_start3A_125 : memref<256x128xf32, #tpu.memory_space<hbm>>) target_semaphore(%arg11 : memref<!tpu.dma_semaphore, #tpu.memory_space<semaphore_mem>>)
      %mul3A_126 = arith.constant 3 : i32
      %mul3A_127 = arith.muli %mul3A_126, %scan3A_72 : i32
      %add3A_128 = arith.constant 1 : i32
      %add3A_129 = arith.addi %mul3A_127, %add3A_128 : i32
      %ge3A_130 = arith.constant 3 : i32
      %ge3A_131 = arith.cmpi sge, %add3A_129, %ge3A_130 : i32
      %convert_element_type3A_132 = arith.extui %ge3A_131 : i1 to i32
      %cond3A_133 = arith.constant 0 : i32
      %cond3A_134 = arith.cmpi ne, %convert_element_type3A_132, %cond3A_133 : i32
      scf.if %cond3A_134 {
        %sub3A = arith.constant 3 : i32
        %sub3A_244 = arith.subi %add3A_129, %sub3A : i32
        %mul3A_245 = arith.constant 256 : i32
        %mul3A_246 = arith.muli %sub3A_244, %mul3A_245 : i32
        %add3A_247 = arith.addi %mul3A_2, %mul3A_246 : i32
        %dma_wait3A_248 = arith.constant 0 : i32
        %dma_wait3A_249 = tpu.memref_slice %arg4[%add3A_247, %dma_wait3A_248] : memref<425984x128xf32, #tpu.memory_space<hbm>> -> memref<256x128xf32, #tpu.memory_space<hbm>>
        %dma_wait3A_250 = arith.constant 0 : i32
        %dma_wait3A_251 = tpu.memref_slice %arg4[%add3A_247, %dma_wait3A_250] : memref<425984x128xf32, #tpu.memory_space<hbm>> -> memref<256x128xf32, #tpu.memory_space<hbm>>
        tpu.wait_dma2 semaphore(%arg12 : memref<!tpu.dma_semaphore, #tpu.memory_space<semaphore_mem>>) src(%arg8 : memref<256x128xf32, #tpu.memory_space<vmem>>) dst(%dma_wait3A_251 : memref<256x128xf32, #tpu.memory_space<hbm>>)
      } else {
      }
      %mul3A_135 = arith.constant 256 : i32
      %mul3A_136 = arith.muli %add3A_129, %mul3A_135 : i32
      %add3A_137 = arith.constant 0 : i32
      %add3A_138 = arith.addi %mul3A_136, %add3A_137 : i32
      %dma_start3A_139 = arith.constant 0 : i32
      %dma_start3A_140 = arith.constant 0 : i32
      %dma_start3A_141 = tpu.memref_slice %arg8[%dma_start3A_139, %dma_start3A_140] : memref<256x128xf32, #tpu.memory_space<vmem>> -> memref<128x128xf32, #tpu.memory_space<vmem>>
      %dma_start3A_142 = tpu.memref_slice %arg6[%add3A_138] : memref<13312xi32, #tpu.memory_space<vmem>> -> memref<128xi32, #tpu.memory_space<vmem>>
      %dma_start3A_143 = arith.constant 0 : i32
      %dma_start3A_144 = arith.constant 0 : i32
      %dma_start3A_145 = tpu.memref_slice %arg3[%dma_start3A_143, %dma_start3A_144] : memref<26000x128xf32, #tpu.memory_space<hbm>> -> memref<26000x128xf32, #tpu.memory_space<hbm>>
      tpu.enqueue_indirect_dma source(%dma_start3A_145 : memref<26000x128xf32, #tpu.memory_space<hbm>>) target(%dma_start3A_141 : memref<128x128xf32, #tpu.memory_space<vmem>>) offsets(%dma_start3A_142 : memref<128xi32, #tpu.memory_space<vmem>>) semaphore(%arg10 : memref<!tpu.dma_semaphore, #tpu.memory_space<semaphore_mem>>)
      %mul3A_146 = arith.constant 256 : i32
      %mul3A_147 = arith.muli %add3A_129, %mul3A_146 : i32
      %add3A_148 = arith.constant 128 : i32
      %add3A_149 = arith.addi %mul3A_147, %add3A_148 : i32
      %dma_start3A_150 = arith.constant 128 : i32
      %dma_start3A_151 = arith.constant 0 : i32
      %dma_start3A_152 = tpu.memref_slice %arg8[%dma_start3A_150, %dma_start3A_151] : memref<256x128xf32, #tpu.memory_space<vmem>> -> memref<128x128xf32, #tpu.memory_space<vmem>>
      %dma_start3A_153 = tpu.memref_slice %arg6[%add3A_149] : memref<13312xi32, #tpu.memory_space<vmem>> -> memref<128xi32, #tpu.memory_space<vmem>>
      %dma_start3A_154 = arith.constant 0 : i32
      %dma_start3A_155 = arith.constant 0 : i32
      %dma_start3A_156 = tpu.memref_slice %arg3[%dma_start3A_154, %dma_start3A_155] : memref<26000x128xf32, #tpu.memory_space<hbm>> -> memref<26000x128xf32, #tpu.memory_space<hbm>>
      tpu.enqueue_indirect_dma source(%dma_start3A_156 : memref<26000x128xf32, #tpu.memory_space<hbm>>) target(%dma_start3A_152 : memref<128x128xf32, #tpu.memory_space<vmem>>) offsets(%dma_start3A_153 : memref<128xi32, #tpu.memory_space<vmem>>) semaphore(%arg10 : memref<!tpu.dma_semaphore, #tpu.memory_space<semaphore_mem>>)
      %add3A_157 = arith.constant 1 : i32
      %add3A_158 = arith.addi %add3A_129, %add3A_157 : i32
      %lt3A_159 = arith.constant 52 : i32
      %lt3A_160 = arith.cmpi slt, %add3A_158, %lt3A_159 : i32
      %convert_element_type3A_161 = arith.extui %lt3A_160 : i1 to i32
      %cond3A_162 = arith.constant 0 : i32
      %cond3A_163 = arith.cmpi ne, %convert_element_type3A_161, %cond3A_162 : i32
      scf.if %cond3A_163 {
        %add3A_244 = arith.constant 1 : i32
        %add3A_245 = arith.addi %add3A_129, %add3A_244 : i32
        %scan3A_246 = arith.constant 0 : i32
        %scan3A_247 = arith.constant 16 : i32
        %scan3A_248 = arith.addi %scan3A_246, %scan3A_247 : i32
        %scan3A_249 = arith.constant 1 : i32
        scf.for %scan3A_251 = %scan3A_246 to %scan3A_248 step %scan3A_249  : i32 {
          %mul3A_252 = arith.constant 256 : i32
          %mul3A_253 = arith.muli %add3A_245, %mul3A_252 : i32
          %mul3A_254 = arith.constant 16 : i32
          %mul3A_255 = arith.muli %scan3A_251, %mul3A_254 : i32
          %add3A_256 = arith.addi %mul3A_253, %mul3A_255 : i32
          %iota3A = tpu.iota {dimensions = array<i32: 0>} : vector<16xi32>
          %mul3A_257 = arith.constant 256 : i32
          %mul3A_258 = arith.muli %add3A_245, %mul3A_257 : i32
          %add3A_259 = arith.addi %mul3A_2, %mul3A_258 : i32
          %mul3A_260 = arith.constant 16 : i32
          %mul3A_261 = arith.muli %scan3A_251, %mul3A_260 : i32
          %add3A_262 = arith.addi %add3A_259, %mul3A_261 : i32
          %add3A_263 = vector.broadcast %add3A_262 : i32 to vector<16xi32>
          %add3A_264 = arith.addi %iota3A, %add3A_263 : vector<16xi32>
          %shift_right_logical3A = arith.constant 14 : i32
          %shift_right_logical3A_265 = vector.broadcast %shift_right_logical3A : i32 to vector<16xi32>
          %shift_right_logical3A_266 = arith.shrui %add3A_264, %shift_right_logical3A_265 : vector<16xi32>
          %mul3A_267 = arith.constant 1000 : i32
          %mul3A_268 = vector.broadcast %mul3A_267 : i32 to vector<16xi32>
          %mul3A_269 = arith.muli %shift_right_logical3A_266, %mul3A_268 : vector<16xi32>
          %get3A = arith.index_cast %add3A_256 : i32 to index
          %get3A_270 = tpu.vector_load %arg5[%get3A] {strides = array<i32>} : memref<13312xi32, #tpu.memory_space<vmem>>, vector<16xi32>,
          %get3A_271 = vector.shape_cast %get3A_270 : vector<16xi32> to vector<16xi32>
          %add3A_272 = arith.addi %get3A_271, %mul3A_269 : vector<16xi32>
          %swap3A = arith.index_cast %add3A_256 : i32 to index
          %swap3A_273 = tpu.vector_load %arg6[%swap3A] {strides = array<i32>} : memref<13312xi32, #tpu.memory_space<vmem>>, vector<16xi32>,
          %swap3A_274 = vector.shape_cast %swap3A_273 : vector<16xi32> to vector<16xi32>
          %swap3A_275 = vector.shape_cast %add3A_272 : vector<16xi32> to vector<16xi32>
          tpu.vector_store %arg6[%swap3A], %swap3A_275 {strides = array<i32>} : memref<13312xi32, #tpu.memory_space<vmem>>, vector<16xi32>,
        }
        %scan3A_250 = arith.constant 16 : i32
      } else {
      }
      %dma_wait3A_164 = arith.constant 0 : i32
      %dma_wait3A_165 = arith.constant 0 : i32
      %dma_wait3A_166 = tpu.memref_slice %arg8[%dma_wait3A_164, %dma_wait3A_165] : memref<256x128xf32, #tpu.memory_space<vmem>> -> memref<128x128xf32, #tpu.memory_space<vmem>>
      %dma_wait3A_167 = tpu.memref_slice %arg6[%add3A_138] : memref<13312xi32, #tpu.memory_space<vmem>> -> memref<128xi32, #tpu.memory_space<vmem>>
      %dma_wait3A_168 = arith.constant 0 : i32
      %dma_wait3A_169 = arith.constant 0 : i32
      %dma_wait3A_170 = tpu.memref_slice %arg3[%dma_wait3A_168, %dma_wait3A_169] : memref<26000x128xf32, #tpu.memory_space<hbm>> -> memref<26000x128xf32, #tpu.memory_space<hbm>>
      tpu.wait_indirect_dma semaphore(%arg10 : memref<!tpu.dma_semaphore, #tpu.memory_space<semaphore_mem>>) src(%dma_wait3A_170 : memref<26000x128xf32, #tpu.memory_space<hbm>>) dst(%dma_wait3A_166 : memref<128x128xf32, #tpu.memory_space<vmem>>)
      %dma_wait3A_171 = arith.constant 128 : i32
      %dma_wait3A_172 = arith.constant 0 : i32
      %dma_wait3A_173 = tpu.memref_slice %arg8[%dma_wait3A_171, %dma_wait3A_172] : memref<256x128xf32, #tpu.memory_space<vmem>> -> memref<128x128xf32, #tpu.memory_space<vmem>>
      %dma_wait3A_174 = tpu.memref_slice %arg6[%add3A_149] : memref<13312xi32, #tpu.memory_space<vmem>> -> memref<128xi32, #tpu.memory_space<vmem>>
      %dma_wait3A_175 = arith.constant 0 : i32
      %dma_wait3A_176 = arith.constant 0 : i32
      %dma_wait3A_177 = tpu.memref_slice %arg3[%dma_wait3A_175, %dma_wait3A_176] : memref<26000x128xf32, #tpu.memory_space<hbm>> -> memref<26000x128xf32, #tpu.memory_space<hbm>>
      tpu.wait_indirect_dma semaphore(%arg10 : memref<!tpu.dma_semaphore, #tpu.memory_space<semaphore_mem>>) src(%dma_wait3A_177 : memref<26000x128xf32, #tpu.memory_space<hbm>>) dst(%dma_wait3A_173 : memref<128x128xf32, #tpu.memory_space<vmem>>)
      %mul3A_178 = arith.constant 256 : i32
      %mul3A_179 = arith.muli %add3A_129, %mul3A_178 : i32
      %add3A_180 = arith.addi %mul3A_2, %mul3A_179 : i32
      %dma_start3A_181 = arith.constant 0 : i32
      %dma_start3A_182 = tpu.memref_slice %arg4[%add3A_180, %dma_start3A_181] : memref<425984x128xf32, #tpu.memory_space<hbm>> -> memref<256x128xf32, #tpu.memory_space<hbm>>
      %dma_start3A_183 = arith.constant 0 : i32
      %dma_start3A_184 = tpu.memref_slice %arg4[%add3A_180, %dma_start3A_183] : memref<425984x128xf32, #tpu.memory_space<hbm>> -> memref<256x128xf32, #tpu.memory_space<hbm>>
      tpu.enqueue_dma source(%arg8 : memref<256x128xf32, #tpu.memory_space<vmem>>) target(%dma_start3A_184 : memref<256x128xf32, #tpu.memory_space<hbm>>) target_semaphore(%arg12 : memref<!tpu.dma_semaphore, #tpu.memory_space<semaphore_mem>>)
      %mul3A_185 = arith.constant 3 : i32
      %mul3A_186 = arith.muli %mul3A_185, %scan3A_72 : i32
      %add3A_187 = arith.constant 2 : i32
      %add3A_188 = arith.addi %mul3A_186, %add3A_187 : i32
      %ge3A_189 = arith.constant 3 : i32
      %ge3A_190 = arith.cmpi sge, %add3A_188, %ge3A_189 : i32
      %convert_element_type3A_191 = arith.extui %ge3A_190 : i1 to i32
      %cond3A_192 = arith.constant 0 : i32
      %cond3A_193 = arith.cmpi ne, %convert_element_type3A_191, %cond3A_192 : i32
      scf.if %cond3A_193 {
        %sub3A = arith.constant 3 : i32
        %sub3A_244 = arith.subi %add3A_188, %sub3A : i32
        %mul3A_245 = arith.constant 256 : i32
        %mul3A_246 = arith.muli %sub3A_244, %mul3A_245 : i32
        %add3A_247 = arith.addi %mul3A_2, %mul3A_246 : i32
        %dma_wait3A_248 = arith.constant 0 : i32
        %dma_wait3A_249 = tpu.memref_slice %arg4[%add3A_247, %dma_wait3A_248] : memref<425984x128xf32, #tpu.memory_space<hbm>> -> memref<256x128xf32, #tpu.memory_space<hbm>>
        %dma_wait3A_250 = arith.constant 0 : i32
        %dma_wait3A_251 = tpu.memref_slice %arg4[%add3A_247, %dma_wait3A_250] : memref<425984x128xf32, #tpu.memory_space<hbm>> -> memref<256x128xf32, #tpu.memory_space<hbm>>
        tpu.wait_dma2 semaphore(%arg13 : memref<!tpu.dma_semaphore, #tpu.memory_space<semaphore_mem>>) src(%arg9 : memref<256x128xf32, #tpu.memory_space<vmem>>) dst(%dma_wait3A_251 : memref<256x128xf32, #tpu.memory_space<hbm>>)
      } else {
      }
      %mul3A_194 = arith.constant 256 : i32
      %mul3A_195 = arith.muli %add3A_188, %mul3A_194 : i32
      %add3A_196 = arith.constant 0 : i32
      %add3A_197 = arith.addi %mul3A_195, %add3A_196 : i32
      %dma_start3A_198 = arith.constant 0 : i32
      %dma_start3A_199 = arith.constant 0 : i32
      %dma_start3A_200 = tpu.memref_slice %arg9[%dma_start3A_198, %dma_start3A_199] : memref<256x128xf32, #tpu.memory_space<vmem>> -> memref<128x128xf32, #tpu.memory_space<vmem>>
      %dma_start3A_201 = tpu.memref_slice %arg6[%add3A_197] : memref<13312xi32, #tpu.memory_space<vmem>> -> memref<128xi32, #tpu.memory_space<vmem>>
      %dma_start3A_202 = arith.constant 0 : i32
      %dma_start3A_203 = arith.constant 0 : i32
      %dma_start3A_204 = tpu.memref_slice %arg3[%dma_start3A_202, %dma_start3A_203] : memref<26000x128xf32, #tpu.memory_space<hbm>> -> memref<26000x128xf32, #tpu.memory_space<hbm>>
      tpu.enqueue_indirect_dma source(%dma_start3A_204 : memref<26000x128xf32, #tpu.memory_space<hbm>>) target(%dma_start3A_200 : memref<128x128xf32, #tpu.memory_space<vmem>>) offsets(%dma_start3A_201 : memref<128xi32, #tpu.memory_space<vmem>>) semaphore(%arg10 : memref<!tpu.dma_semaphore, #tpu.memory_space<semaphore_mem>>)
      %mul3A_205 = arith.constant 256 : i32
      %mul3A_206 = arith.muli %add3A_188, %mul3A_205 : i32
      %add3A_207 = arith.constant 128 : i32
      %add3A_208 = arith.addi %mul3A_206, %add3A_207 : i32
      %dma_start3A_209 = arith.constant 128 : i32
      %dma_start3A_210 = arith.constant 0 : i32
      %dma_start3A_211 = tpu.memref_slice %arg9[%dma_start3A_209, %dma_start3A_210] : memref<256x128xf32, #tpu.memory_space<vmem>> -> memref<128x128xf32, #tpu.memory_space<vmem>>
      %dma_start3A_212 = tpu.memref_slice %arg6[%add3A_208] : memref<13312xi32, #tpu.memory_space<vmem>> -> memref<128xi32, #tpu.memory_space<vmem>>
      %dma_start3A_213 = arith.constant 0 : i32
      %dma_start3A_214 = arith.constant 0 : i32
      %dma_start3A_215 = tpu.memref_slice %arg3[%dma_start3A_213, %dma_start3A_214] : memref<26000x128xf32, #tpu.memory_space<hbm>> -> memref<26000x128xf32, #tpu.memory_space<hbm>>
      tpu.enqueue_indirect_dma source(%dma_start3A_215 : memref<26000x128xf32, #tpu.memory_space<hbm>>) target(%dma_start3A_211 : memref<128x128xf32, #tpu.memory_space<vmem>>) offsets(%dma_start3A_212 : memref<128xi32, #tpu.memory_space<vmem>>) semaphore(%arg10 : memref<!tpu.dma_semaphore, #tpu.memory_space<semaphore_mem>>)
      %add3A_216 = arith.constant 1 : i32
      %add3A_217 = arith.addi %add3A_188, %add3A_216 : i32
      %lt3A_218 = arith.constant 52 : i32
      %lt3A_219 = arith.cmpi slt, %add3A_217, %lt3A_218 : i32
      %convert_element_type3A_220 = arith.extui %lt3A_219 : i1 to i32
      %cond3A_221 = arith.constant 0 : i32
      %cond3A_222 = arith.cmpi ne, %convert_element_type3A_220, %cond3A_221 : i32
      scf.if %cond3A_222 {
        %add3A_244 = arith.constant 1 : i32
        %add3A_245 = arith.addi %add3A_188, %add3A_244 : i32
        %scan3A_246 = arith.constant 0 : i32
        %scan3A_247 = arith.constant 16 : i32
        %scan3A_248 = arith.addi %scan3A_246, %scan3A_247 : i32
        %scan3A_249 = arith.constant 1 : i32
        scf.for %scan3A_251 = %scan3A_246 to %scan3A_248 step %scan3A_249  : i32 {
          %mul3A_252 = arith.constant 256 : i32
          %mul3A_253 = arith.muli %add3A_245, %mul3A_252 : i32
          %mul3A_254 = arith.constant 16 : i32
          %mul3A_255 = arith.muli %scan3A_251, %mul3A_254 : i32
          %add3A_256 = arith.addi %mul3A_253, %mul3A_255 : i32
          %iota3A = tpu.iota {dimensions = array<i32: 0>} : vector<16xi32>
          %mul3A_257 = arith.constant 256 : i32
          %mul3A_258 = arith.muli %add3A_245, %mul3A_257 : i32
          %add3A_259 = arith.addi %mul3A_2, %mul3A_258 : i32
          %mul3A_260 = arith.constant 16 : i32
          %mul3A_261 = arith.muli %scan3A_251, %mul3A_260 : i32
          %add3A_262 = arith.addi %add3A_259, %mul3A_261 : i32
          %add3A_263 = vector.broadcast %add3A_262 : i32 to vector<16xi32>
          %add3A_264 = arith.addi %iota3A, %add3A_263 : vector<16xi32>
          %shift_right_logical3A = arith.constant 14 : i32
          %shift_right_logical3A_265 = vector.broadcast %shift_right_logical3A : i32 to vector<16xi32>
          %shift_right_logical3A_266 = arith.shrui %add3A_264, %shift_right_logical3A_265 : vector<16xi32>
          %mul3A_267 = arith.constant 1000 : i32
          %mul3A_268 = vector.broadcast %mul3A_267 : i32 to vector<16xi32>
          %mul3A_269 = arith.muli %shift_right_logical3A_266, %mul3A_268 : vector<16xi32>
          %get3A = arith.index_cast %add3A_256 : i32 to index
          %get3A_270 = tpu.vector_load %arg5[%get3A] {strides = array<i32>} : memref<13312xi32, #tpu.memory_space<vmem>>, vector<16xi32>,
          %get3A_271 = vector.shape_cast %get3A_270 : vector<16xi32> to vector<16xi32>
          %add3A_272 = arith.addi %get3A_271, %mul3A_269 : vector<16xi32>
          %swap3A = arith.index_cast %add3A_256 : i32 to index
          %swap3A_273 = tpu.vector_load %arg6[%swap3A] {strides = array<i32>} : memref<13312xi32, #tpu.memory_space<vmem>>, vector<16xi32>,
          %swap3A_274 = vector.shape_cast %swap3A_273 : vector<16xi32> to vector<16xi32>
          %swap3A_275 = vector.shape_cast %add3A_272 : vector<16xi32> to vector<16xi32>
          tpu.vector_store %arg6[%swap3A], %swap3A_275 {strides = array<i32>} : memref<13312xi32, #tpu.memory_space<vmem>>, vector<16xi32>,
        }
        %scan3A_250 = arith.constant 16 : i32
      } else {
      }
      %dma_wait3A_223 = arith.constant 0 : i32
      %dma_wait3A_224 = arith.constant 0 : i32
      %dma_wait3A_225 = tpu.memref_slice %arg9[%dma_wait3A_223, %dma_wait3A_224] : memref<256x128xf32, #tpu.memory_space<vmem>> -> memref<128x128xf32, #tpu.memory_space<vmem>>
      %dma_wait3A_226 = tpu.memref_slice %arg6[%add3A_197] : memref<13312xi32, #tpu.memory_space<vmem>> -> memref<128xi32, #tpu.memory_space<vmem>>
      %dma_wait3A_227 = arith.constant 0 : i32
      %dma_wait3A_228 = arith.constant 0 : i32
      %dma_wait3A_229 = tpu.memref_slice %arg3[%dma_wait3A_227, %dma_wait3A_228] : memref<26000x128xf32, #tpu.memory_space<hbm>> -> memref<26000x128xf32, #tpu.memory_space<hbm>>
      tpu.wait_indirect_dma semaphore(%arg10 : memref<!tpu.dma_semaphore, #tpu.memory_space<semaphore_mem>>) src(%dma_wait3A_229 : memref<26000x128xf32, #tpu.memory_space<hbm>>) dst(%dma_wait3A_225 : memref<128x128xf32, #tpu.memory_space<vmem>>)
      %dma_wait3A_230 = arith.constant 128 : i32
      %dma_wait3A_231 = arith.constant 0 : i32
      %dma_wait3A_232 = tpu.memref_slice %arg9[%dma_wait3A_230, %dma_wait3A_231] : memref<256x128xf32, #tpu.memory_space<vmem>> -> memref<128x128xf32, #tpu.memory_space<vmem>>
      %dma_wait3A_233 = tpu.memref_slice %arg6[%add3A_208] : memref<13312xi32, #tpu.memory_space<vmem>> -> memref<128xi32, #tpu.memory_space<vmem>>
      %dma_wait3A_234 = arith.constant 0 : i32
      %dma_wait3A_235 = arith.constant 0 : i32
      %dma_wait3A_236 = tpu.memref_slice %arg3[%dma_wait3A_234, %dma_wait3A_235] : memref<26000x128xf32, #tpu.memory_space<hbm>> -> memref<26000x128xf32, #tpu.memory_space<hbm>>
      tpu.wait_indirect_dma semaphore(%arg10 : memref<!tpu.dma_semaphore, #tpu.memory_space<semaphore_mem>>) src(%dma_wait3A_236 : memref<26000x128xf32, #tpu.memory_space<hbm>>) dst(%dma_wait3A_232 : memref<128x128xf32, #tpu.memory_space<vmem>>)
      %mul3A_237 = arith.constant 256 : i32
      %mul3A_238 = arith.muli %add3A_188, %mul3A_237 : i32
      %add3A_239 = arith.addi %mul3A_2, %mul3A_238 : i32
      %dma_start3A_240 = arith.constant 0 : i32
      %dma_start3A_241 = tpu.memref_slice %arg4[%add3A_239, %dma_start3A_240] : memref<425984x128xf32, #tpu.memory_space<hbm>> -> memref<256x128xf32, #tpu.memory_space<hbm>>
      %dma_start3A_242 = arith.constant 0 : i32
      %dma_start3A_243 = tpu.memref_slice %arg4[%add3A_239, %dma_start3A_242] : memref<425984x128xf32, #tpu.memory_space<hbm>> -> memref<256x128xf32, #tpu.memory_space<hbm>>
      tpu.enqueue_dma source(%arg9 : memref<256x128xf32, #tpu.memory_space<vmem>>) target(%dma_start3A_243 : memref<256x128xf32, #tpu.memory_space<hbm>>) target_semaphore(%arg13 : memref<!tpu.dma_semaphore, #tpu.memory_space<semaphore_mem>>)
    }
    %scan3A_11 = arith.constant 17 : i32
    %add3A_12 = arith.constant 12288 : i32
    %add3A_13 = arith.addi %mul3A_2, %add3A_12 : i32
    %dma_wait3A = arith.constant 0 : i32
    %dma_wait3A_14 = tpu.memref_slice %arg4[%add3A_13, %dma_wait3A] : memref<425984x128xf32, #tpu.memory_space<hbm>> -> memref<256x128xf32, #tpu.memory_space<hbm>>
    %dma_wait3A_15 = arith.constant 0 : i32
    %dma_wait3A_16 = tpu.memref_slice %arg4[%add3A_13, %dma_wait3A_15] : memref<425984x128xf32, #tpu.memory_space<hbm>> -> memref<256x128xf32, #tpu.memory_space<hbm>>
    tpu.wait_dma2 semaphore(%arg11 : memref<!tpu.dma_semaphore, #tpu.memory_space<semaphore_mem>>) src(%arg7 : memref<256x128xf32, #tpu.memory_space<vmem>>) dst(%dma_wait3A_16 : memref<256x128xf32, #tpu.memory_space<hbm>>)
    %dma_start3A = arith.constant 0 : i32
    %dma_start3A_17 = arith.constant 0 : i32
    %dma_start3A_18 = tpu.memref_slice %arg7[%dma_start3A, %dma_start3A_17] : memref<256x128xf32, #tpu.memory_space<vmem>> -> memref<128x128xf32, #tpu.memory_space<vmem>>
    %dma_start3A_19 = arith.constant 13056 : i32
    %dma_start3A_20 = tpu.memref_slice %arg6[%dma_start3A_19] : memref<13312xi32, #tpu.memory_space<vmem>> -> memref<128xi32, #tpu.memory_space<vmem>>
    %dma_start3A_21 = arith.constant 0 : i32
    %dma_start3A_22 = arith.constant 0 : i32
    %dma_start3A_23 = tpu.memref_slice %arg3[%dma_start3A_21, %dma_start3A_22] : memref<26000x128xf32, #tpu.memory_space<hbm>> -> memref<26000x128xf32, #tpu.memory_space<hbm>>
    tpu.enqueue_indirect_dma source(%dma_start3A_23 : memref<26000x128xf32, #tpu.memory_space<hbm>>) target(%dma_start3A_18 : memref<128x128xf32, #tpu.memory_space<vmem>>) offsets(%dma_start3A_20 : memref<128xi32, #tpu.memory_space<vmem>>) semaphore(%arg10 : memref<!tpu.dma_semaphore, #tpu.memory_space<semaphore_mem>>)
    %dma_start3A_24 = arith.constant 128 : i32
    %dma_start3A_25 = arith.constant 0 : i32
    %dma_start3A_26 = tpu.memref_slice %arg7[%dma_start3A_24, %dma_start3A_25] : memref<256x128xf32, #tpu.memory_space<vmem>> -> memref<128x128xf32, #tpu.memory_space<vmem>>
    %dma_start3A_27 = arith.constant 13184 : i32
    %dma_start3A_28 = tpu.memref_slice %arg6[%dma_start3A_27] : memref<13312xi32, #tpu.memory_space<vmem>> -> memref<128xi32, #tpu.memory_space<vmem>>
    %dma_start3A_29 = arith.constant 0 : i32
    %dma_start3A_30 = arith.constant 0 : i32
    %dma_start3A_31 = tpu.memref_slice %arg3[%dma_start3A_29, %dma_start3A_30] : memref<26000x128xf32, #tpu.memory_space<hbm>> -> memref<26000x128xf32, #tpu.memory_space<hbm>>
    tpu.enqueue_indirect_dma source(%dma_start3A_31 : memref<26000x128xf32, #tpu.memory_space<hbm>>) target(%dma_start3A_26 : memref<128x128xf32, #tpu.memory_space<vmem>>) offsets(%dma_start3A_28 : memref<128xi32, #tpu.memory_space<vmem>>) semaphore(%arg10 : memref<!tpu.dma_semaphore, #tpu.memory_space<semaphore_mem>>)
    %dma_wait3A_32 = arith.constant 0 : i32
    %dma_wait3A_33 = arith.constant 0 : i32
    %dma_wait3A_34 = tpu.memref_slice %arg7[%dma_wait3A_32, %dma_wait3A_33] : memref<256x128xf32, #tpu.memory_space<vmem>> -> memref<128x128xf32, #tpu.memory_space<vmem>>
    %dma_wait3A_35 = arith.constant 13056 : i32
    %dma_wait3A_36 = tpu.memref_slice %arg6[%dma_wait3A_35] : memref<13312xi32, #tpu.memory_space<vmem>> -> memref<128xi32, #tpu.memory_space<vmem>>
    %dma_wait3A_37 = arith.constant 0 : i32
    %dma_wait3A_38 = arith.constant 0 : i32
    %dma_wait3A_39 = tpu.memref_slice %arg3[%dma_wait3A_37, %dma_wait3A_38] : memref<26000x128xf32, #tpu.memory_space<hbm>> -> memref<26000x128xf32, #tpu.memory_space<hbm>>
    tpu.wait_indirect_dma semaphore(%arg10 : memref<!tpu.dma_semaphore, #tpu.memory_space<semaphore_mem>>) src(%dma_wait3A_39 : memref<26000x128xf32, #tpu.memory_space<hbm>>) dst(%dma_wait3A_34 : memref<128x128xf32, #tpu.memory_space<vmem>>)
    %dma_wait3A_40 = arith.constant 128 : i32
    %dma_wait3A_41 = arith.constant 0 : i32
    %dma_wait3A_42 = tpu.memref_slice %arg7[%dma_wait3A_40, %dma_wait3A_41] : memref<256x128xf32, #tpu.memory_space<vmem>> -> memref<128x128xf32, #tpu.memory_space<vmem>>
    %dma_wait3A_43 = arith.constant 13184 : i32
    %dma_wait3A_44 = tpu.memref_slice %arg6[%dma_wait3A_43] : memref<13312xi32, #tpu.memory_space<vmem>> -> memref<128xi32, #tpu.memory_space<vmem>>
    %dma_wait3A_45 = arith.constant 0 : i32
    %dma_wait3A_46 = arith.constant 0 : i32
    %dma_wait3A_47 = tpu.memref_slice %arg3[%dma_wait3A_45, %dma_wait3A_46] : memref<26000x128xf32, #tpu.memory_space<hbm>> -> memref<26000x128xf32, #tpu.memory_space<hbm>>
    tpu.wait_indirect_dma semaphore(%arg10 : memref<!tpu.dma_semaphore, #tpu.memory_space<semaphore_mem>>) src(%dma_wait3A_47 : memref<26000x128xf32, #tpu.memory_space<hbm>>) dst(%dma_wait3A_42 : memref<128x128xf32, #tpu.memory_space<vmem>>)
    %add3A_48 = arith.constant 13056 : i32
    %add3A_49 = arith.addi %mul3A_2, %add3A_48 : i32
    %dma_start3A_50 = arith.constant 0 : i32
    %dma_start3A_51 = tpu.memref_slice %arg4[%add3A_49, %dma_start3A_50] : memref<425984x128xf32, #tpu.memory_space<hbm>> -> memref<256x128xf32, #tpu.memory_space<hbm>>
    %dma_start3A_52 = arith.constant 0 : i32
    %dma_start3A_53 = tpu.memref_slice %arg4[%add3A_49, %dma_start3A_52] : memref<425984x128xf32, #tpu.memory_space<hbm>> -> memref<256x128xf32, #tpu.memory_space<hbm>>
    tpu.enqueue_dma source(%arg7 : memref<256x128xf32, #tpu.memory_space<vmem>>) target(%dma_start3A_53 : memref<256x128xf32, #tpu.memory_space<hbm>>) target_semaphore(%arg11 : memref<!tpu.dma_semaphore, #tpu.memory_space<semaphore_mem>>)
    %add3A_54 = arith.constant 12544 : i32
    %add3A_55 = arith.addi %mul3A_2, %add3A_54 : i32
    %dma_wait3A_56 = arith.constant 0 : i32
    %dma_wait3A_57 = tpu.memref_slice %arg4[%add3A_55, %dma_wait3A_56] : memref<425984x128xf32, #tpu.memory_space<hbm>> -> memref<256x128xf32, #tpu.memory_space<hbm>>
    %dma_wait3A_58 = arith.constant 0 : i32
    %dma_wait3A_59 = tpu.memref_slice %arg4[%add3A_55, %dma_wait3A_58] : memref<425984x128xf32, #tpu.memory_space<hbm>> -> memref<256x128xf32, #tpu.memory_space<hbm>>
    tpu.wait_dma2 semaphore(%arg12 : memref<!tpu.dma_semaphore, #tpu.memory_space<semaphore_mem>>) src(%arg8 : memref<256x128xf32, #tpu.memory_space<vmem>>) dst(%dma_wait3A_59 : memref<256x128xf32, #tpu.memory_space<hbm>>)
    %add3A_60 = arith.constant 12800 : i32
    %add3A_61 = arith.addi %mul3A_2, %add3A_60 : i32
    %dma_wait3A_62 = arith.constant 0 : i32
    %dma_wait3A_63 = tpu.memref_slice %arg4[%add3A_61, %dma_wait3A_62] : memref<425984x128xf32, #tpu.memory_space<hbm>> -> memref<256x128xf32, #tpu.memory_space<hbm>>
    %dma_wait3A_64 = arith.constant 0 : i32
    %dma_wait3A_65 = tpu.memref_slice %arg4[%add3A_61, %dma_wait3A_64] : memref<425984x128xf32, #tpu.memory_space<hbm>> -> memref<256x128xf32, #tpu.memory_space<hbm>>
    tpu.wait_dma2 semaphore(%arg13 : memref<!tpu.dma_semaphore, #tpu.memory_space<semaphore_mem>>) src(%arg9 : memref<256x128xf32, #tpu.memory_space<vmem>>) dst(%dma_wait3A_65 : memref<256x128xf32, #tpu.memory_space<hbm>>)
    %add3A_66 = arith.constant 13056 : i32
    %add3A_67 = arith.addi %mul3A_2, %add3A_66 : i32
    %dma_wait3A_68 = arith.constant 0 : i32
    %dma_wait3A_69 = tpu.memref_slice %arg4[%add3A_67, %dma_wait3A_68] : memref<425984x128xf32, #tpu.memory_space<hbm>> -> memref<256x128xf32, #tpu.memory_space<hbm>>
    %dma_wait3A_70 = arith.constant 0 : i32
    %dma_wait3A_71 = tpu.memref_slice %arg4[%add3A_67, %dma_wait3A_70] : memref<425984x128xf32, #tpu.memory_space<hbm>> -> memref<256x128xf32, #tpu.memory_space<hbm>>
    tpu.wait_dma2 semaphore(%arg11 : memref<!tpu.dma_semaphore, #tpu.memory_space<semaphore_mem>>) src(%arg7 : memref<256x128xf32, #tpu.memory_space<vmem>>) dst(%dma_wait3A_71 : memref<256x128xf32, #tpu.memory_space<hbm>>)
    return
  }
}

</mosaic_0001>

<sc_bundles>
// kernel: kernel.3.cloned.1.call-start
scs
__scs_entry_jumppad:
0x0: {  	(pc) =	sbr.rel $0x88, $3  }
0x1: {  	(tag) =	ssettag $0x0;
	lr =	simm.s32 $0x1  }
0x2: {  	[smem:$0x3F9F] =	sst lr;
	_ =	strace $0xD0000000  }
0x3: {  	_ = 	snop  }
0x4: {  	_ = 	snop  }
0x5: {  	_ = 	snop  }
0x6: {  	_ = 	snop  }
0x7: {  	_ = 	snop  }
__scs_overlays_trampoline_lowered:
0x8: {  	[smem:$0x3FAE] =	sst s0  }
0x9: {  	[smem:$0x3FAF] =	sst s1  }
0xa: {  	[smem:$0x3FB0] =	sst s2  }
0xb: {  	[smem:$0x3FB1] =	sst s3  }
0xc: {  	[smem:$0x3FB2] =	sst s4  }
0xd: {  	[smem:$0x3FB3] =	sst s5  }
0xe: {  	[smem:$0x3FB4] =	sst s6  }
0xf: {  	[smem:$0x3FB5] =	sst s7  }
0x10: {  	[smem:$0x3FB6] =	sst s8  }
0x11: {  	[smem:$0x3FB7] =	sst s9;
	s0 =	simm.s32 @!p0 $0x0  }
0x12: {  	s1 =	sld [smem:$0x3F9D];
	s0 =	simm.s32 @p0 $0x1  }
0x13: {  	[smem:$0x3FB8] =	sst s0;
	s0 =	simm.s32 @!p1 $0x0  }
0x14: {  	s2 =	sld [smem:$0x3F9C];
	s0 =	simm.s32 @p1 $0x1  }
0x15: {  	[smem:$0x3FB9] =	sst s0;
	s0 =	simm.s32 @!p2 $0x0  }
0x16: {  	s3 =	sld [smem:$0x3FDB];
	s0 =	simm.s32 @p2 $0x1  }
0x17: {  	s4 =	simm.s32 $0x1BF5;
	[smem:$0x3FBB] =	sst s0  }
0x18: {  	s0 =	sld [smem:$0x3F9E];
	_ =	swait.ge [sflag:s4], $0x0  }
0x19: {  	s7 =	sld [smem:$0x3F9F]  }
0x1a: {  	s8 =	sadd.s32 $0xFFFFE003, lr  }
0x1b: {  	s9 =	sadd.s32 $0xFFFFFEF7, lr;
	s5 =	simm.s32 $0xFFFFFFFF;
	p2 =	slt.u32 s8, $0xFFFFF086  }
0x1c: {  	p1 =	slt.u32 s9, $0xF7A;
	s5 =	simm.s32 @!p2 $0x0  }
0x1d: {  	s5 =	simm.s32 @p1 $0x1;
	p0 =	seq.s32 s7, s2  }
0x1e: {  	s7 =	smul.u32 @!p0 $0xF7A, s2;
	p2 =	seq.s32 @!p0 s5, $0x0  }
0x1f: {  	s9 =	smul.u32 $0xF7A, s1;
	s8 =	simm.s32 @!p0 $0x1BF5;
	p2 =	por !p2, p0  }
0x20: {  	[sflag:s8] =	ssyncset.s32 @!p0 $0xFFFFF086;
	s6 =	sadd.s32 @!p0 s3, s7;
	s7 =	simm.s32 @!p0 $0x108  }
0x21: {  	s3 =	sadd.s32 s3, s9;
	s6 =	sadd.s32 @!p0 $0x88, s6;
	s7 =	simm.s32 @p2 $0x1082  }
0x22: {  	[simem:s7], [sflag:s8] =	dma.local @!p0 [hbm:s6], $0xF7A  }
0x23: {  	s9 =	sor.u32 $0xD0000000, s2;
	s6 =	simm.s32 $0x108;
	_ =	swait.ge @!p0 [sflag:s8], $0x0  }
0x24: {  	s3 =	sadd.s32 $0x88, s3;
	s6 =	simm.s32 @!p1 $0x1082;
	[sflag:s4] =	ssyncset.s32 $0xFFFFF086  }
0x25: {  	[simem:s6], [sflag:s4] =	dma.local [hbm:s3], $0xF7A  }
0x26: {  	[smem:$0x3F9F] =	sst s1;
	(tag) =	ssettag s2;
	_ =	strace s9  }
0x27: {  	s1 =	sld [smem:$0x3FAF]  }
0x28: {  	s2 =	sld [smem:$0x3FB0]  }
0x29: {  	s4 =	sld [smem:$0x3FB2]  }
0x2a: {  	p0 =	seq.s32 s5, $0x0;
	s5 =	sld [smem:$0x3FB3]  }
0x2b: {  	s6 =	sld [smem:$0x3FB4]  }
0x2c: {  	s7 =	sld [smem:$0x3FB5]  }
0x2d: {  	s3 =	simm.s32 $0x108;
	s8 =	sld [smem:$0x3FB6]  }
0x2e: {  	s3 =	simm.s32 @!p0 $0x1082;
	s9 =	sld [smem:$0x3FB7]  }
0x2f: {  	lr =	sadd.s32 s0, s3;
	s0 =	sld [smem:$0x3FAE]  }
0x30: {  	s3 =	sld [smem:$0x3FB1]  }
0x31: {  	[smem:$0x3FBA] =	sst s10  }
0x32: {  	s10 =	sld [smem:$0x3FB8];
	_ =	sdelay $0x3  }
0x33: {  	p0 =	seq.s32 s10, $0x1;
	s10 =	sld [smem:$0x3FBA];
	_ =	sdelay $0x3  }
0x34: {  	[smem:$0x3FBA] =	sst s10  }
0x35: {  	s10 =	sld [smem:$0x3FB9];
	_ =	sdelay $0x3  }
0x36: {  	p1 =	seq.s32 s10, $0x1;
	s10 =	sld [smem:$0x3FBA];
	_ =	sdelay $0x3  }
0x37: {  	[smem:$0x3FBA] =	sst s10  }
0x38: {  	s10 =	sld [smem:$0x3FBB]  }
0x39: {  	_ = 	snop;
	(pc) =	sbr.ind lr, $3  }
0x3a: {  	_ = 	snop  }
0x3b: {  	_ = 	snop  }
0x3c: {  	p2 =	seq.s32 s10, $0x1;
	s10 =	sld [smem:$0x3FBA]  }
0x3d: {  	_ =	shalt  }
0x3e: {  	_ =	shalt  }
0x3f: {  	_ =	shalt  }
0x40: {  	_ =	shalt  }
0x41: {  	_ =	shalt  }
0x42: {  	_ =	shalt  }
0x43: {  	_ =	shalt  }
0x44: {  	_ =	shalt  }
0x45: {  	_ =	shalt  }
0x46: {  	_ =	shalt  }
0x47: {  	_ =	shalt  }
0x48: {  	_ =	shalt  }
0x49: {  	_ =	shalt  }
0x4a: {  	_ =	shalt  }
0x4b: {  	_ =	shalt  }
0x4c: {  	_ =	shalt  }
0x4d: {  	_ =	shalt  }
0x4e: {  	_ =	shalt  }
0x4f: {  	_ =	shalt  }
0x50: {  	_ =	shalt  }
0x51: {  	_ =	shalt  }
0x52: {  	_ =	shalt  }
0x53: {  	_ =	shalt  }
0x54: {  	_ =	shalt  }
0x55: {  	_ =	shalt  }
0x56: {  	_ =	shalt  }
0x57: {  	_ =	shalt  }
0x58: {  	_ =	shalt  }
0x59: {  	_ =	shalt  }
0x5a: {  	_ =	shalt  }
0x5b: {  	_ =	shalt  }
0x5c: {  	_ =	shalt  }
0x5d: {  	_ =	shalt  }
0x5e: {  	_ =	shalt  }
0x5f: {  	_ =	shalt  }
0x60: {  	_ =	shalt  }
0x61: {  	_ =	shalt  }
0x62: {  	_ =	shalt  }
0x63: {  	_ =	shalt  }
0x64: {  	_ =	shalt  }
0x65: {  	_ =	shalt  }
0x66: {  	_ =	shalt  }
0x67: {  	_ =	shalt  }
0x68: {  	_ =	shalt  }
0x69: {  	_ =	shalt  }
0x6a: {  	_ =	shalt  }
0x6b: {  	_ =	shalt  }
0x6c: {  	_ =	shalt  }
0x6d: {  	_ =	shalt  }
0x6e: {  	_ =	shalt  }
0x6f: {  	_ =	shalt  }
0x70: {  	_ =	shalt  }
0x71: {  	_ =	shalt  }
0x72: {  	_ =	shalt  }
0x73: {  	_ =	shalt  }
0x74: {  	_ =	shalt  }
0x75: {  	_ =	shalt  }
0x76: {  	_ =	shalt  }
0x77: {  	_ =	shalt  }
0x78: {  	_ =	shalt  }
0x79: {  	_ =	shalt  }
0x7a: {  	_ =	shalt  }
0x7b: {  	_ =	shalt  }
0x7c: {  	_ =	shalt  }
0x7d: {  	_ =	shalt  }
0x7e: {  	_ =	shalt  }
0x7f: {  	_ =	shalt  }
0x80: {  	_ =	shalt  }
0x81: {  	_ =	shalt  }
0x82: {  	_ =	shalt  }
0x83: {  	_ =	shalt  }
0x84: {  	_ =	shalt  }
0x85: {  	_ =	shalt  }
0x86: {  	_ =	shalt  }
0x87: {  	_ =	shalt  }
.Lfunc_end0:
.L_simem_size_0:
called_computation_lowered:
.L_overlay_start_0:
0x88: {  	s2 =	sld [smem:$0x3FD9]  }
0x89: {  	s3 =	sld [smem:$0x3FFE];
	_ =	sdelay $0x1  }
0x8a: {  	s1 =	srdreg.scid  }
0x8b: {  	s0 =	sand.u32 $0x1, s1  }
0x8c: {  	s17 =	sshll.u32 s0, $0xA;
	s2 =	sadd.s32 s3, s2  }
0x8d: {  	s2 =	sadd.s32 s2, s17  }
0x8e: {  	[smem:$0x3FC6] =	sst s2  }
0x8f: {  	_ = 	snop  }
0x90: {  	s2 =	sld [smem:$0x3FC8]  }
0x91: {  	s18 =	sld [smem:$0x3FD0];
	(tm) =	ssettm $0x1  }
0x92: {  	s4 =	sld [smem:$0x3FFB];
	_ =	sdelay $0x3  }
0x93: {  	_ =	strace s4  }
0x94: {  	s4 =	sld [smem:$0x3FFC];
	_ =	sdelay $0x3  }
0x95: {  	_ =	strace s4  }
0x96: {  	s4 =	sld [smem:$0x3FFD];
	_ =	sdelay $0x3  }
0x97: {  	_ =	strace s4  }
0x98: {  	_ =	strace $0x8FFFFFFF  }
0x99: {  	s19 =	sld [smem:$0x3FDB];
	_ =	sdelay $0x1  }
0x9a: {  	s5 =	simm.s32 $_scs_section_size  }
0x9b: {  	s6 =	simm.s32 $_size__tile_overlayer_lowered;
	s7 =	simm.s32 $_tile_overlayer_lowered  }
0x9c: {  	s22 =	simm.s32 $0x1BFF;
	s21 =	sshll.u32 s7, $0x1;
	s4 =	sadd.s32 s5, s19  }
0x9d: {  	s8 =	simm.s32 $0x0;
	s20 =	sshll.u32 s6, $0x1;
	s6 =	sadd.s32 s21, s4  }
0x9e: {  	[timem:s8], [sflag:s22] =	dma.local [hbm:s6], s20  }
0x9f: {  	_ =	swait.ge [sflag:s22], s20  }
0xa0: {  	s5 =	ssub.s32 $0x0, s20;
	[sflag:s22] =	ssyncset.done $0x0  }
0xa1: {  	[sflag:s22] =	ssyncadd.s32 s5;
	_ =	sdelay $0x1  }
0xa2: {  	s23 =	simm.s32 $0x1B8B  }
0xa3: {  	_ =	swait.ge [sflag:s23], $0x1  }
0xa4: {  	[sflag:s23] =	ssyncset.done $0x0  }
0xa5: {  	s25 =	simm.s32 $0x1B8E;
	s24 =	sld [smem:$0x3FFE];
	[sflag:s23] =	ssyncadd.s32 $0xFFFFFFFF  }
0xa6: {  	s26 =	simm.s32 $execute0_lowered;
	[smem:$0x3FD2] =	sst s25  }
0xa7: {  	s6 =	sshll.u32 s26, $0x1;
	_ =	strace $0x80000046;
	[dreg:$0x1] =	wrdreg $0xFFFFFFFF  }
0xa8: {  	s28 =	simm.s32 $_size_execute0_lowered;
	s4 =	sadd.s32 s4, s6;
	[dreg:$0x0] =	wrdreg $0x0  }
0xa9: {  	s6 =	sshll.u32 s28, $0x1;
	[dreg:$0x2] =	wrdreg s4  }
0xaa: {  	[dreg:$0x3] =	wrdreg s6  }
0xab: {  	[dreg:$0x4] =	wrdreg $0xC0  }
0xac: {  	_ =	task [dreg:s8], $0x5FFFF  }
0xad: {  	[dreg:$0x1] =	wrdreg $0xFFFFFFFF  }
0xae: {  	[dreg:$0x0] =	wrdreg $0x60  }
0xaf: {  	[dreg:$0x2] =	wrdreg s24  }
0xb0: {  	[dreg:$0x3] =	wrdreg s2  }
0xb1: {  	[dreg:$0x4] =	wrdreg s18  }
0xb2: {  	[dreg:$0x5] =	wrdreg $0x9  }
0xb3: {  	_ =	task.clear_ibuf [dreg:s8], $0x6FFFF;
	_ =	strace $0x90000046  }
0xb4: {  	s29 =	simm.s32 $0x9;
	_ =	strace $0x80000048  }
0xb5: {  	_ =	swait.ge [sflag:s29], $0x1  }
0xb6: {  	[sflag:s29] =	ssyncadd.s32 $0xFFFFFFFF  }
0xb7: {  	_ =	strace $0x90000048  }
0xb8: {  	_ =	sfence  }
0xb9: {  	s30 =	sld [smem:$0x0];
	_ =	sdelay $0x2  }
0xba: {  	s31 =	sshll.u32 s1, $0xD;
	s1 =	sshrl.u32 s1, $0x2  }
0xbb: {  	s3 =	sand.u32 $0x4000, s31;
	s1 =	sadd.s32 s1, s30  }
0xbc: {  	s0 =	sor.u32 s3, s0;
	s1 =	sshll.u32 s1, $0x11  }
0xbd: {  	s0 =	sor.u32 s1, s0  }
0xbe: {  	s0 =	sadd.s32 $0x8F2B, s0  }
0xbf: {  	[sflag:s0] =	ssyncadd.remote.s32 $0x1  }
0xc0: {  	_ =	sfence.sel $0xFFFF  }
0xc1: {  	[dreg:$0x0] =	wrdreg $0xFFFFFFFF;
	(pc) =	sbr.abs _section_cstart, $3  }
0xc2: {  	[dreg:$0x1] =	wrdreg $0xFFFFFFFF  }
0xc3: {  	_ =	task.clear_ibuf [dreg:s8], $0x2FFFF;
	_ =	strace $0x9FFFFFFF  }
0xc4: {  	(tm) =	ssettm $0x7FFFFFFF  }
0xc5: {  	_ =	shalt  }
tec
execute0_lowered:
.L_overlay_start_1:
0x0: {  	(tag) =	ssettag $0x1  }
0x1: {  	s0 =	rddreg [dreg:$0x0]  }
0x2: {  	s1 =	srdreg.scid;
	s2 =	rddreg [dreg:$0x1]  }
0x3: {  	s8 =	stileid.u32;
	s3 =	rddreg [dreg:$0x2];
	s14 =	simm.s32 $0x80  }
0x4: {  	s15 =	simm.s32 $0x6800;
	s1 =	sand.u32 $0x1, s1;
	s4 =	sshll.u32 s8, $0x1  }
0x5: {  	s16 =	simm.s32 $0xA800;
	s17 =	simm.s32 $0x1;
	s6 =	sor.u32 s1, s4  }
0x6: {  	s18 =	simm.s32 $0xE800;
	s19 =	simm.s32 $0x12800;
	s5 =	smul.u32 $0x3400, s6  }
0x7: {  	s8 =	smul.u32 $0x6800, s8;
	s4 =	simm.s32 $0x0;
	s24 =	ssub.s32 $0x2, s1  }
0x8: {  	s1 =	smul.u32 $0x3400, s1;
	[smem:$0x7FF] =	sst s4;
	s7 =	sshrl.u32 s5, $0x3  }
0x9: {  	s6 =	smul.u32 $0x1A0000, s6;
	s9 =	sshrl.u32 s24, $0x1;
	s0 =	sadd.s32 s7, s0  }
0xa: {  	_ =	strace $0x80000047;
	s7 =	ssub.s32 s24, s9;
	s0 =	sadd.s32 $0x400, s0  }
0xb: {  	s9 =	sadd.s32 s1, s8;
	s26 =	smax.u32 s7, $0x1;
	[dreg:$0x4] =	wrdreg s0  }
0xc: {  	s20 =	simm.s32 $0x16800;
	s29 =	sor.u32 $0x100, s9;
	[dreg:$0x6] =	wrdreg s26  }
0xd: {  	s6 =	sshrl.u32 s6, $0x3;
	s30 =	sor.u32 $0x200, s9;
	[dreg:$0x7] =	wrdreg s29  }
0xe: {  	s25 =	sadd.s32 s3, s6;
	s31 =	sor.u32 $0x300, s9;
	[dreg:$0x8] =	wrdreg s30  }
0xf: {  	s21 =	simm.s32 $0x1A800;
	s0 =	sadd.s32 $0x33000, s25;
	[dreg:$0x9] =	wrdreg s31  }
0x10: {  	s22 =	simm.s32 $0x2;
	s28 =	simm.s32 $0x0;
	[dreg:$0x5] =	wrdreg s0  }
.LBB2_1:
0x11: {  	s0 =	rddreg [dreg:$0x4];
	s31 =	simm.s32 $0x5  }
0x12: {  	[tilespmem:s4], [sflag:$0x5] =	stream.linear.gather [hbm4b:s0+s4], $0x3400, $0x38;
	[tilespmem:$0x1E800] =	vst v63  }
0x13: {  	_ =	swait.ge [sflag:s31], $0x3400  }
0x14: {  	v0 =	vmov s9;
	[sflag:s31] =	ssyncset.done $0x0  }
0x15: {  	v0 =	vshrl.u32 v0, $0xE;
	s0 =	simm.s32 $0x0;
	[sflag:s31] =	ssyncadd.s32 $0xFFFFCC00  }
0x16: {  	v1 =	vmul.u32 $0x3E8, v0;
	v0 =	vld [tilespmem:s0+$0x0];
	_ =	sdelay $0x2  }
0x17: {  	v1 =	vbroadcast v1, $0x0  }
0x18: {  	s1 =	simm.s32 $0x40;
	s6 =	sadd.s32 $0x10, s9  }
.LBB2_2:
0x19: {  	v2 =	vmov s6;
	s7 =	sshra.s32 s1, $0x2;
	p0 =	sne.s32 s1, $0x3C0;
	s1 =	sadd.s32 $0x40, s1;
	v1 =	vadd.s32 v1, v0  }
.Ltmp0:
0x1a: {  	v2 =	vshrl.u32 v2, $0xE;
	v0 =	vld [tilespmem:s7+$0x0];
	[tilespmem:s0+$0x3400] =	vst v1;
	s0 =	smov.u32 s7;
	(pc) =	sbr.rel @p0 .LBB2_2-.Ltmp0, $3  }
0x1b: {  	v1 =	vmul.u32 $0x3E8, v2;
	_ =	sdelay $0x1  }
0x1c: {  	v1 =	vbroadcast v1, $0x0  }
0x1d: {  	s6 =	sadd.s32 $0x10, s6  }
0x1e: {  	s29 =	simm.s32 $0x0  }
0x1f: {  	s30 =	simm.s32 $0x3500;
	s31 =	simm.s32 $0x100;
	s12 =	rddreg [dreg:$0x9]  }
0x20: {  	v0 =	vadd.s32 v1, v0;
	s1 =	simm.s32 $0x3600;
	s23 =	simm.s32 $0x3700;
	s11 =	rddreg [dreg:$0x8]  }
0x21: {  	s24 =	simm.s32 $0x300;
	s25 =	rddreg [dreg:$0x7];
	[tilespmem:s0+$0x3400] =	vst v0;
	s0 =	simm.s32 $0x200  }
.LBB2_4:
0x22: {  	p0 =	seq.s32 s29, $0x0  }
0x23: {  	s6 =	simm.s32 @!p0 $0x2  }
0x24: {  	s7 =	smul.u32 $0x300, s29;
	_ =	swait.ge @!p0 [sflag:s6], $0x8000  }
0x25: {  	[sflag:s6] =	ssyncset.done @!p0 $0x0  }
0x26: {  	v1 =	vmov s31;
	s13 =	sadd.s32 $0x3400, s7;
	[sflag:s6] =	ssyncadd.s32 @!p0 $0xFFFF8000  }
0x27: {  	[tilespmem:s15], [sflag:$0x1] =	stream.indirect.gather [hbm4b:s2+s14], $0x80, s13, s14, $0xb8;
	[tilespmem:$0x1E800] =	vst v63  }
0x28: {  	s10 =	smov.u32 s25;
	s26 =	sadd.s32 $0x3480, s7;
	s6 =	sadd.s32 $0x100, s7  }
0x29: {  	[tilespmem:s16], [sflag:$0x1] =	stream.indirect.gather [hbm4b:s2+s14], $0x80, s26, s14, $0xb8;
	[tilespmem:$0x1E800] =	vst v63  }
0x2a: {  	v0 =	vmov s30;
	s8 =	sadd.s32 s5, s6;
	s13 =	simm.s32 $0x0;
	s26 =	simm.s32 $0x40  }
.LBB2_5:
0x2b: {  	p1 =	sne.s32 s26, $0x3C0;
	v2 =	vmov s10;
	v3 =	vld.idx.msk [tilespmem:v1+s13+$0x0 ss:$0x1], $0xffff  }
0x2c: {  	v2 =	vshrl.u32 v2, $0xE  }
0x2d: {  	v2 =	vmul.u32 $0x3E8, v2  }
.Ltmp1:
0x2e: {  	(pc) =	sbr.rel @p1 .LBB2_5-.Ltmp1, $3  }
0x2f: {  	v2 =	vbroadcast v2, $0x0;
	_ =	sdelay $0x1  }
0x30: {  	v2 =	vadd.s32 v2, v3  }
0x31: {  	s10 =	sadd.s32 $0x10, s10;
	[tilespmem:v0+s13+$0x0 ss:$0x1] =	vst.idx.msk $0xffff, v2;
	s13 =	sshra.s32 s26, $0x2;
	s26 =	sadd.s32 $0x40, s26  }
0x32: {  	_ =	sdelay $0x2  }
0x33: {  	v2 =	vmov s10  }
0x34: {  	v1 =	vld.idx.msk [tilespmem:v1+s13+$0x0 ss:$0x1], $0xffff;
	v2 =	vshrl.u32 v2, $0xE  }
0x35: {  	v2 =	vmul.u32 $0x3E8, v2;
	_ =	sdelay $0x1  }
0x36: {  	v2 =	vbroadcast v2, $0x0;
	_ =	sdelay $0x1  }
0x37: {  	v1 =	vadd.s32 v2, v1  }
0x38: {  	[tilespmem:v0+s13+$0x0 ss:$0x1] =	vst.idx.msk $0xffff, v1  }
0x39: {  	_ =	swait.ge [sflag:s17], $0x4000  }
0x3a: {  	[sflag:s17] =	ssyncset.done $0x0  }
0x3b: {  	[sflag:s17] =	ssyncadd.s32 $0xFFFFC000  }
0x3c: {  	s26 =	sadd.s32 s5, s7;
	_ =	swait.ge [sflag:s17], $0x4000  }
0x3d: {  	s10 =	sshll.u32 s26, $0x4;
	[sflag:s17] =	ssyncset.done $0x0  }
0x3e: {  	s10 =	sadd.s32 s3, s10;
	[sflag:s17] =	ssyncadd.s32 $0xFFFFC000  }
0x3f: {  	[hbm4b:s10+s4] =	stream.linear.scatter [tilespmem:s15], [sflag:$0x2], $0x8000, $0x38;
	[tilespmem:$0x1E800] =	vst v63  }
0x40: {  	s10 =	simm.s32 @!p0 $0x3  }
0x41: {  	_ =	swait.ge @!p0 [sflag:s10], $0x8000  }
0x42: {  	s26 =	sadd.s32 $0x3480, s6;
	[sflag:s10] =	ssyncset.done @!p0 $0x0  }
0x43: {  	s13 =	sadd.s32 $0x3400, s6;
	s6 =	sadd.s32 $0x200, s7;
	v1 =	vmov s0;
	[sflag:s10] =	ssyncadd.s32 @!p0 $0xFFFF8000  }
0x44: {  	[tilespmem:s18], [sflag:$0x1] =	stream.indirect.gather [hbm4b:s2+s14], $0x80, s13, s14, $0xb8;
	[tilespmem:$0x1E800] =	vst v63  }
0x45: {  	s7 =	sadd.s32 s5, s6  }
0x46: {  	[tilespmem:s19], [sflag:$0x1] =	stream.indirect.gather [hbm4b:s2+s14], $0x80, s26, s14, $0xb8;
	[tilespmem:$0x1E800] =	vst v63  }
0x47: {  	v0 =	vmov s1;
	s10 =	smov.u32 s11;
	s13 =	simm.s32 $0x0;
	s26 =	simm.s32 $0x40  }
.LBB2_7:
0x48: {  	p1 =	sne.s32 s26, $0x3C0;
	v2 =	vmov s10;
	v3 =	vld.idx.msk [tilespmem:v1+s13+$0x0 ss:$0x1], $0xffff  }
0x49: {  	v2 =	vshrl.u32 v2, $0xE  }
0x4a: {  	v2 =	vmul.u32 $0x3E8, v2  }
.Ltmp2:
0x4b: {  	(pc) =	sbr.rel @p1 .LBB2_7-.Ltmp2, $3  }
0x4c: {  	v2 =	vbroadcast v2, $0x0;
	_ =	sdelay $0x1  }
0x4d: {  	v2 =	vadd.s32 v2, v3  }
0x4e: {  	s10 =	sadd.s32 $0x10, s10;
	[tilespmem:v0+s13+$0x0 ss:$0x1] =	vst.idx.msk $0xffff, v2;
	s13 =	sshra.s32 s26, $0x2;
	s26 =	sadd.s32 $0x40, s26  }
0x4f: {  	_ =	sdelay $0x2  }
0x50: {  	v2 =	vmov s10  }
0x51: {  	v1 =	vld.idx.msk [tilespmem:v1+s13+$0x0 ss:$0x1], $0xffff;
	v2 =	vshrl.u32 v2, $0xE  }
0x52: {  	v2 =	vmul.u32 $0x3E8, v2;
	_ =	sdelay $0x1  }
0x53: {  	v2 =	vbroadcast v2, $0x0;
	_ =	sdelay $0x1  }
0x54: {  	v1 =	vadd.s32 v2, v1  }
0x55: {  	[tilespmem:v0+s13+$0x0 ss:$0x1] =	vst.idx.msk $0xffff, v1  }
0x56: {  	_ =	swait.ge [sflag:s17], $0x4000  }
0x57: {  	[sflag:s17] =	ssyncset.done $0x0  }
0x58: {  	[sflag:s17] =	ssyncadd.s32 $0xFFFFC000  }
0x59: {  	_ =	swait.ge [sflag:s17], $0x4000  }
0x5a: {  	s8 =	sshll.u32 s8, $0x4;
	[sflag:s17] =	ssyncset.done $0x0  }
0x5b: {  	s8 =	sadd.s32 s3, s8;
	[sflag:s17] =	ssyncadd.s32 $0xFFFFC000  }
0x5c: {  	[hbm4b:s8+s4] =	stream.linear.scatter [tilespmem:s18], [sflag:$0x3], $0x8000, $0x38;
	[tilespmem:$0x1E800] =	vst v63  }
0x5d: {  	s8 =	simm.s32 @!p0 $0x4  }
0x5e: {  	_ =	swait.ge @!p0 [sflag:s8], $0x8000  }
0x5f: {  	v1 =	vmov s24;
	[sflag:s8] =	ssyncset.done @!p0 $0x0  }
0x60: {  	s26 =	sadd.s32 $0x3480, s6;
	s13 =	sadd.s32 $0x3400, s6;
	[sflag:s8] =	ssyncadd.s32 @!p0 $0xFFFF8000  }
0x61: {  	[tilespmem:s20], [sflag:$0x1] =	stream.indirect.gather [hbm4b:s2+s14], $0x80, s13, s14, $0xb8;
	[tilespmem:$0x1E800] =	vst v63  }
0x62: {  	s10 =	simm.s32 $0x40;
	s6 =	simm.s32 $0x0;
	s8 =	smov.u32 s12  }
0x63: {  	v0 =	vmov s23;
	[tilespmem:s21], [sflag:$0x1] =	stream.indirect.gather [hbm4b:s2+s14], $0x80, s26, s14, $0xb8;
	[tilespmem:$0x1E800] =	vst v63  }
.LBB2_9:
0x64: {  	p0 =	sne.s32 s10, $0x3C0;
	v2 =	vmov s8;
	v3 =	vld.idx.msk [tilespmem:v1+s6+$0x0 ss:$0x1], $0xffff  }
0x65: {  	v2 =	vshrl.u32 v2, $0xE  }
0x66: {  	v2 =	vmul.u32 $0x3E8, v2  }
.Ltmp3:
0x67: {  	(pc) =	sbr.rel @p0 .LBB2_9-.Ltmp3, $3  }
0x68: {  	v2 =	vbroadcast v2, $0x0;
	_ =	sdelay $0x1  }
0x69: {  	v2 =	vadd.s32 v2, v3  }
0x6a: {  	s8 =	sadd.s32 $0x10, s8;
	[tilespmem:v0+s6+$0x0 ss:$0x1] =	vst.idx.msk $0xffff, v2;
	s6 =	sshra.s32 s10, $0x2;
	s10 =	sadd.s32 $0x40, s10  }
0x6b: {  	_ =	sdelay $0x2  }
0x6c: {  	v2 =	vmov s8  }
0x6d: {  	v1 =	vld.idx.msk [tilespmem:v1+s6+$0x0 ss:$0x1], $0xffff;
	v2 =	vshrl.u32 v2, $0xE  }
0x6e: {  	v2 =	vmul.u32 $0x3E8, v2;
	_ =	sdelay $0x1  }
0x6f: {  	v2 =	vbroadcast v2, $0x0;
	_ =	sdelay $0x1  }
0x70: {  	v1 =	vadd.s32 v2, v1  }
0x71: {  	s26 =	sshll.u32 s7, $0x4;
	s29 =	sadd.s32 $0x1, s29;
	[tilespmem:v0+s6+$0x0 ss:$0x1] =	vst.idx.msk $0xffff, v1  }
0x72: {  	s25 =	sadd.s32 $0x300, s25;
	s30 =	sadd.s32 $0x300, s30;
	_ =	swait.ge [sflag:s17], $0x4000  }
0x73: {  	s31 =	sadd.s32 $0x300, s31;
	p0 =	sne.s32 s29, $0x11;
	[sflag:s17] =	ssyncset.done $0x0  }
.Ltmp4:
0x74: {  	s11 =	sadd.s32 $0x300, s11;
	[sflag:s17] =	ssyncadd.s32 $0xFFFFC000;
	(pc) =	sbr.rel @p0 .LBB2_4-.Ltmp4, $4  }
0x75: {  	s1 =	sadd.s32 $0x300, s1;
	s0 =	sadd.s32 $0x300, s0;
	_ =	swait.ge [sflag:s17], $0x4000  }
0x76: {  	s12 =	sadd.s32 $0x300, s12;
	s23 =	sadd.s32 $0x300, s23;
	[sflag:s17] =	ssyncset.done $0x0  }
0x77: {  	s24 =	sadd.s32 $0x300, s24;
	s6 =	sadd.s32 s3, s26;
	[sflag:s17] =	ssyncadd.s32 $0xFFFFC000  }
0x78: {  	[hbm4b:s6+s4] =	stream.linear.scatter [tilespmem:s20], [sflag:$0x4], $0x8000, $0x38;
	[tilespmem:$0x1E800] =	vst v63  }
0x79: {  	_ =	swait.ge [sflag:s22], $0x8000  }
0x7a: {  	[sflag:s22] =	ssyncset.done $0x0  }
0x7b: {  	s0 =	simm.s32 $0x6700;
	[sflag:s22] =	ssyncadd.s32 $0xFFFF8000  }
0x7c: {  	[tilespmem:s15], [sflag:$0x1] =	stream.indirect.gather [hbm4b:s2+s14], $0x80, s0, s14, $0xb8;
	[tilespmem:$0x1E800] =	vst v63  }
0x7d: {  	s25 =	simm.s32 $0x6780  }
0x7e: {  	[tilespmem:s16], [sflag:$0x1] =	stream.indirect.gather [hbm4b:s2+s14], $0x80, s25, s14, $0xb8;
	[tilespmem:$0x1E800] =	vst v63  }
0x7f: {  	_ =	swait.ge [sflag:s17], $0x4000  }
0x80: {  	[sflag:s17] =	ssyncset.done $0x0  }
0x81: {  	[sflag:s17] =	ssyncadd.s32 $0xFFFFC000  }
0x82: {  	_ =	swait.ge [sflag:s17], $0x4000  }
0x83: {  	[sflag:s17] =	ssyncset.done $0x0  }
0x84: {  	s29 =	simm.s32 $0x3;
	s26 =	rddreg [dreg:$0x5];
	[sflag:s17] =	ssyncadd.s32 $0xFFFFC000  }
0x85: {  	[hbm4b:s26+s4] =	stream.linear.scatter [tilespmem:s15], [sflag:$0x2], $0x8000, $0x38;
	[tilespmem:$0x1E800] =	vst v63  }
0x86: {  	_ =	swait.ge [sflag:s29], $0x8000  }
0x87: {  	[sflag:s29] =	ssyncset.done $0x0  }
0x88: {  	s30 =	simm.s32 $0x4;
	[sflag:s29] =	ssyncadd.s32 $0xFFFF8000  }
0x89: {  	_ =	swait.ge [sflag:s30], $0x8000  }
0x8a: {  	[sflag:s30] =	ssyncset.done $0x0  }
0x8b: {  	[sflag:s30] =	ssyncadd.s32 $0xFFFF8000  }
0x8c: {  	_ =	swait.ge [sflag:s22], $0x8000  }
0x8d: {  	s28 =	sadd.s32 $0x1, s28;
	s31 =	rddreg [dreg:$0x6]  }
0x8e: {  	p0 =	sne.s32 s28, s31  }
.Ltmp5:
0x8f: {  	_ = 	snop;
	(pc) =	sbr.rel @p0 .LBB2_1-.Ltmp5, $3  }
0x90: {  	_ =	sdelay $0x1  }
0x91: {  	[sflag:s22] =	ssyncset.done $0x0  }
0x92: {  	[sflag:s22] =	ssyncadd.s32 $0xFFFF8000  }
0x93: {  	_ =	sfence.sel $0x180000  }
0x94: {  	[bflag:$0x0] =	sbarrier.arrive $0xFFFF  }
0x95: {  	_ =	strace $0x90000047  }
0x96: {  	s0 =	stileid.u32;
	[bflag:$0x2] =	sbarrier.arrive $0xFFFF  }
0x97: {  	p0 =	sne.s32 s0, $0x0;
	s0 =	rddreg [dreg:$0x3]  }
0x98: {  	s0 =	sadd.s32 @!p0 $0x100000, s0  }
0x99: {  	[sflag:s0] =	ssyncadd.tile.s32 @!p0 $0x1;
	_ =	shalt  }
.Lfunc_end2:
_tile_overlayer_lowered:
.L_overlay_start_2:
0x9a: {  	(tag) =	ssettag $0x2  }
0x9b: {  	s0 =	rddreg [dreg:$0x0];
	s2 =	stileid.u32  }
0x9c: {  	s1 =	rddreg [dreg:$0x1];
	p0 =	sne.s32 s2, $0x0  }
0x9d: {  	s3 =	rddreg [dreg:$0x2];
	[bflag:$0x3] =	sbarrier.arrive $0xFFFF;
	s2 =	simm.s32 @!p0 $0x1C05  }
0x9e: {  	[timem:s3], [sflag:s2] =	dma.local @!p0 [hbm:s0], s1  }
0x9f: {  	s0 =	simm.s32 @!p0 $0x5  }
0xa0: {  	_ =	swait.ge @!p0 [sflag:s0], s1  }
0xa1: {  	s1 =	ssub.s32 @!p0 $0x0, s1;
	[sflag:s0] =	ssyncset.done @!p0 $0x0  }
0xa2: {  	[sflag:s0] =	ssyncadd.s32 @!p0 s1  }
0xa3: {  	[bflag:$0x3] =	sbarrier.arrive $0xFFFF  }
0xa4: {  	_ =	shalt  }

</sc_bundles>
